<compile_context>
chip_gen: v7x
topology: tpu7x:2x2x1
jax: 0.10.2.dev20260603
libtpu: 0.0.44.dev20260713+nightly
codegen_flags: <defaults>
</compile_context>

<pallas_src>
import functools

import jax
import jax.numpy as jnp
from jax import lax
from jax.experimental import pallas as pl
from jax.experimental.pallas import tpu as pltpu
from jax.experimental.pallas import tpu_sc as plsc

_V = 1000
_NQ = 400
_VB = 128
_NVB = (_V + _VB - 1) // _VB
_QPW = 16
_NWORK = _NQ // _QPW
_NQP = 512


def _dist_body(q_ref, e_ref, cand_ref):
    q = q_ref[...]
    e = e_ref[...]
    e2 = jnp.sum(e * e, axis=1)
    qe = jax.lax.dot_general(
        e, q, (((1,), (1,)), ((), ())),
        preferred_element_type=jnp.float32,
        precision=jax.lax.Precision.HIGHEST,
    )
    dist = e2[:, None] - 2.0 * qe
    for b in range(_NVB):
        lo = b * _VB
        hi = min(lo + _VB, _V)
        blk = dist[lo:hi]
        idx = jnp.argmin(blk, axis=0).astype(jnp.int32) + lo
        cand_ref[b, : _NQ] = jnp.min(blk, axis=0)
        cand_ref[_NVB + b, : _NQ] = jax.lax.bitcast_convert_type(idx, jnp.float32)


def _make_sc_merge():
    mesh = plsc.VectorSubcoreMesh(core_axis_name="c", subcore_axis_name="s")
    info = plsc.get_sparse_core_info()
    nc = info.num_cores

    @functools.partial(
        pl.kernel,
        out_type=jax.ShapeDtypeStruct((_NWORK, _QPW), jnp.int32),
        mesh=mesh,
        scratch_types=[
            pltpu.VMEM((2 * _NVB, 128), jnp.float32),
            pltpu.VMEM((_QPW,), jnp.int32),
        ],
    )
    def sc_merge(cand_hbm, out_hbm, cand_v, res_v):
        wid = lax.axis_index("s") * nc + lax.axis_index("c")

        @pl.when(wid < _NWORK)
        def _():
            chunk = pl.ds((wid // 8) * 128, 128)
            sub = pl.ds((wid % 8) * _QPW, _QPW)
            pltpu.sync_copy(cand_hbm.at[:, chunk], cand_v)
            m = cand_v[0, sub]
            im = jax.lax.bitcast_convert_type(cand_v[_NVB, sub], jnp.int32)
            for b in range(1, _NVB):
                x = cand_v[b, sub]
                pred = x < m
                m = jnp.where(pred, x, m)
                im = jnp.where(pred, jax.lax.bitcast_convert_type(cand_v[_NVB + b, sub], jnp.int32), im)
            res_v[...] = im
            pltpu.sync_copy(res_v, out_hbm.at[wid])

    return sc_merge


def kernel(inputs, embeddings):
    B, S, D = inputs.shape
    q = inputs.reshape(B * S, D)
    cand = pl.pallas_call(
        _dist_body,
        out_shape=jax.ShapeDtypeStruct((2 * _NVB, _NQP), jnp.float32),
    )(q, embeddings)
    out = _make_sc_merge()(cand)
    return out.reshape(B, S)

# --- scband reference (transcript-rebuilt; emitter-appended) ---
"""Pipeline reference for scband-embedding-reverse-layer-66735201845508 (READ-ONLY COPY).

The authoritative reference and input builder live on the scoring server;
editing this copy changes nothing except your own understanding.
"""

import jax, jax.numpy as jnp
import numpy as np


def setup_inputs(seed: int = 0) -> dict:
    key = jax.random.key(seed)
    k1, k2 = jax.random.split(key)
    # [batch_size, num_steps, embedding_size] word-embedded inputs
    inputs = jax.random.normal(k1, (8, 50, 128), dtype=jnp.float32)
    # embedding table from the (conceptual) previous EmbeddingLayer,
    # initialized like tf.random_uniform_initializer(-0.1, 0.1)
    embeddings = jax.random.uniform(k2, (1000, 128), dtype=jnp.float32, minval=-0.1, maxval=0.1)
    return {"inputs": inputs, "embeddings": embeddings}


def reference(inputs, embeddings):
    # Faithful translation of EmbeddingReverseLayer forward.
    B, S, D = inputs.shape
    V = embeddings.shape[0]
    # dummy_index = tf.range(V); embed = embedding_lookup(origin_embeddings, dummy_index)
    dummy_index = jnp.arange(V)
    embed = jnp.take(embeddings, dummy_index, axis=0)  # [V, D]
    # tile to [B, S, V, D] (tf reshape->tile->reshape is equivalent to broadcast)
    embed_tile_reshape = jnp.broadcast_to(embed[None, None, :, :], (B, S, V, D))
    # expand inputs to [B, S, 1, D]
    input_embed = inputs[:, :, None, :]
    # L2 distance per vocab entry
    embed_diff = embed_tile_reshape - input_embed
    embed_distance = jnp.sum(jnp.square(embed_diff), axis=-1)  # [B, S, V]
    # shift by global min, softmax over vocab, then argmax
    embed_prob = jax.nn.softmax(-embed_distance + jnp.min(embed_distance), axis=-1)
    embed_index = jnp.argmax(embed_prob, axis=-1)  # [B, S] int
    return embed_index

if __name__ == "__main__":
    import jax
    _d = setup_inputs()
    print(jax.jit(kernel)(*tuple(_d.values())))

</pallas_src>

<mosaic_0001>
#map = affine_map<(d0, d1) -> (0, 0)>
module attributes {stable_mosaic.version = 14 : i64} {
  func.func @sc_merge(%arg0: i32, %arg1: i32, %arg2: memref<16x512xf32, #tpu.memory_space<hbm>>, %arg3: memref<25x16xi32, #tpu.memory_space<hbm>>, %arg4: memref<16x128xf32, #tpu.memory_space<vmem>>, %arg5: memref<16xi32, #tpu.memory_space<vmem>>) attributes {dimension_semantics = [#tpu.dimension_semantics<core_parallel>, #tpu.dimension_semantics<subcore_parallel>], iteration_bounds = array<i64: 2, 16>, scalar_prefetch = 0 : i64, scratch_operands = 2 : i64, tpu.core_type = #tpu.core_type<sc_vector_subcore>, window_params = [{transform_indices = #map}, {transform_indices = #map}]} {
    %mul3A = arith.constant 2 : i32
    %mul3A_0 = arith.muli %arg1, %mul3A : i32
    %add3A = arith.addi %mul3A_0, %arg0 : i32
    %lt3A = arith.constant 25 : i32
    %lt3A_1 = arith.cmpi slt, %add3A, %lt3A : i32
    %convert_element_type3A = arith.extui %lt3A_1 : i1 to i32
    %cond3A = arith.constant 0 : i32
    %cond3A_2 = arith.cmpi ne, %convert_element_type3A, %cond3A : i32
    scf.if %cond3A_2 {
      %jit3A = arith.constant 8 : i32
      %div3A = arith.divsi %add3A, %jit3A : i32
      %sign3A = arith.constant 0 : i32
      %sign3A_3 = arith.cmpi sgt, %add3A, %sign3A : i32
      %sign3A_4 = arith.extui %sign3A_3 : i1 to i32
      %sign3A_5 = arith.constant 0 : i32
      %sign3A_6 = arith.cmpi slt, %add3A, %sign3A_5 : i32
      %sign3A_7 = arith.extui %sign3A_6 : i1 to i32
      %sign3A_8 = arith.subi %sign3A_4, %sign3A_7 : i32
      %sign3A_9 = arith.constant 0 : i32
      %sign3A_10 = arith.cmpi sgt, %jit3A, %sign3A_9 : i32
      %sign3A_11 = arith.extui %sign3A_10 : i1 to i32
      %sign3A_12 = arith.constant 0 : i32
      %sign3A_13 = arith.cmpi slt, %jit3A, %sign3A_12 : i32
      %sign3A_14 = arith.extui %sign3A_13 : i1 to i32
      %sign3A_15 = arith.subi %sign3A_11, %sign3A_14 : i32
      %ne3A = arith.cmpi ne, %sign3A_8, %sign3A_15 : i32
      %rem3A = arith.remsi %add3A, %jit3A : i32
      %ne3A_16 = arith.constant 0 : i32
      %ne3A_17 = arith.cmpi ne, %rem3A, %ne3A_16 : i32
      %and3A = arith.andi %ne3A, %ne3A_17 : i1
      %sub3A = arith.constant 1 : i32
      %sub3A_18 = arith.subi %div3A, %sub3A : i32
      %select_n3A = arith.select %and3A, %sub3A_18, %div3A : i32
      %mul3A_19 = arith.constant 128 : i32
      %mul3A_20 = arith.muli %select_n3A, %mul3A_19 : i32
      %jit3A_21 = arith.constant 8 : i32
      %eq3A = arith.constant 0 : i32
      %eq3A_22 = arith.cmpi eq, %jit3A_21, %eq3A : i32
      %jit3A_23 = arith.constant 1 : i32
      %select_n3A_24 = arith.select %eq3A_22, %jit3A_23, %jit3A_21 : i32
      %rem3A_25 = arith.remsi %add3A, %select_n3A_24 : i32
      %ne3A_26 = arith.constant 0 : i32
      %ne3A_27 = arith.cmpi ne, %rem3A_25, %ne3A_26 : i32
      %lt3A_28 = arith.constant 0 : i32
      %lt3A_29 = arith.cmpi slt, %rem3A_25, %lt3A_28 : i32
      %lt3A_30 = arith.constant 0 : i32
      %lt3A_31 = arith.cmpi slt, %select_n3A_24, %lt3A_30 : i32
      %ne3A_32 = arith.xori %lt3A_29, %lt3A_31 : i1
      %and3A_33 = arith.andi %ne3A_32, %ne3A_27 : i1
      %add3A_34 = arith.addi %rem3A_25, %select_n3A_24 : i32
      %select_n3A_35 = arith.select %and3A_33, %add3A_34, %rem3A_25 : i32
      %mul3A_36 = arith.constant 16 : i32
      %mul3A_37 = arith.muli %select_n3A_35, %mul3A_36 : i32
      "tpu.region"() ({
        %run_scoped3A = tpu.sem_alloc : memref<!tpu.dma_semaphore, #tpu.memory_space<semaphore_mem>>
        %dma_start3A = arith.constant 0 : i32
        %dma_start3A_148 = tpu.memref_slice %arg2[%dma_start3A, %mul3A_20] : memref<16x512xf32, #tpu.memory_space<hbm>> -> memref<16x128xf32, #tpu.memory_space<hbm>>
        %dma_start3A_149 = arith.constant 0 : i32
        %dma_start3A_150 = tpu.memref_slice %arg2[%dma_start3A_149, %mul3A_20] : memref<16x512xf32, #tpu.memory_space<hbm>> -> memref<16x128xf32, #tpu.memory_space<hbm>>
        tpu.enqueue_dma source(%dma_start3A_150 : memref<16x128xf32, #tpu.memory_space<hbm>>) target(%arg4 : memref<16x128xf32, #tpu.memory_space<vmem>>) target_semaphore(%run_scoped3A : memref<!tpu.dma_semaphore, #tpu.memory_space<semaphore_mem>>)
        %dma_wait3A = arith.constant 0 : i32
        %dma_wait3A_151 = tpu.memref_slice %arg2[%dma_wait3A, %mul3A_20] : memref<16x512xf32, #tpu.memory_space<hbm>> -> memref<16x128xf32, #tpu.memory_space<hbm>>
        %dma_wait3A_152 = arith.constant 0 : i32
        %dma_wait3A_153 = tpu.memref_slice %arg2[%dma_wait3A_152, %mul3A_20] : memref<16x512xf32, #tpu.memory_space<hbm>> -> memref<16x128xf32, #tpu.memory_space<hbm>>
        tpu.wait_dma2 semaphore(%run_scoped3A : memref<!tpu.dma_semaphore, #tpu.memory_space<semaphore_mem>>) src(%dma_wait3A_153 : memref<16x128xf32, #tpu.memory_space<hbm>>) dst(%arg4 : memref<16x128xf32, #tpu.memory_space<vmem>>)
        tpu.yield
      }) : () -> ()
      %get3A = arith.constant 0 : i32
      %get3A_38 = arith.index_cast %get3A : i32 to index
      %get3A_39 = arith.index_cast %mul3A_37 : i32 to index
      %get3A_40 = tpu.vector_load %arg4[%get3A_38, %get3A_39] {strides = array<i32>} : memref<16x128xf32, #tpu.memory_space<vmem>>, vector<1x16xf32>,
      %get3A_41 = vector.shape_cast %get3A_40 : vector<1x16xf32> to vector<16xf32>
      %get3A_42 = arith.constant 8 : i32
      %get3A_43 = arith.index_cast %get3A_42 : i32 to index
      %get3A_44 = arith.index_cast %mul3A_37 : i32 to index
      %get3A_45 = tpu.vector_load %arg4[%get3A_43, %get3A_44] {strides = array<i32>} : memref<16x128xf32, #tpu.memory_space<vmem>>, vector<1x16xf32>,
      %get3A_46 = vector.shape_cast %get3A_45 : vector<1x16xf32> to vector<16xf32>
      %bitcast_convert_type3A = tpu.bitcast %get3A_46 : vector<16xf32> -> vector<16xi32>
      %get3A_47 = arith.constant 1 : i32
      %get3A_48 = arith.index_cast %get3A_47 : i32 to index
      %get3A_49 = arith.index_cast %mul3A_37 : i32 to index
      %get3A_50 = tpu.vector_load %arg4[%get3A_48, %get3A_49] {strides = array<i32>} : memref<16x128xf32, #tpu.memory_space<vmem>>, vector<1x16xf32>,
      %get3A_51 = vector.shape_cast %get3A_50 : vector<1x16xf32> to vector<16xf32>
      %lt3A_52 = arith.cmpf olt, %get3A_51, %get3A_41 : vector<16xf32>
      %select_n3A_53 = arith.select %lt3A_52, %get3A_51, %get3A_41 : vector<16xi1>, vector<16xf32>
      %get3A_54 = arith.constant 9 : i32
      %get3A_55 = arith.index_cast %get3A_54 : i32 to index
      %get3A_56 = arith.index_cast %mul3A_37 : i32 to index
      %get3A_57 = tpu.vector_load %arg4[%get3A_55, %get3A_56] {strides = array<i32>} : memref<16x128xf32, #tpu.memory_space<vmem>>, vector<1x16xf32>,
      %get3A_58 = vector.shape_cast %get3A_57 : vector<1x16xf32> to vector<16xf32>
      %bitcast_convert_type3A_59 = tpu.bitcast %get3A_58 : vector<16xf32> -> vector<16xi32>
      %select_n3A_60 = arith.select %lt3A_52, %bitcast_convert_type3A_59, %bitcast_convert_type3A : vector<16xi1>, vector<16xi32>
      %get3A_61 = arith.constant 2 : i32
      %get3A_62 = arith.index_cast %get3A_61 : i32 to index
      %get3A_63 = arith.index_cast %mul3A_37 : i32 to index
      %get3A_64 = tpu.vector_load %arg4[%get3A_62, %get3A_63] {strides = array<i32>} : memref<16x128xf32, #tpu.memory_space<vmem>>, vector<1x16xf32>,
      %get3A_65 = vector.shape_cast %get3A_64 : vector<1x16xf32> to vector<16xf32>
      %lt3A_66 = arith.cmpf olt, %get3A_65, %select_n3A_53 : vector<16xf32>
      %select_n3A_67 = arith.select %lt3A_66, %get3A_65, %select_n3A_53 : vector<16xi1>, vector<16xf32>
      %get3A_68 = arith.constant 10 : i32
      %get3A_69 = arith.index_cast %get3A_68 : i32 to index
      %get3A_70 = arith.index_cast %mul3A_37 : i32 to index
      %get3A_71 = tpu.vector_load %arg4[%get3A_69, %get3A_70] {strides = array<i32>} : memref<16x128xf32, #tpu.memory_space<vmem>>, vector<1x16xf32>,
      %get3A_72 = vector.shape_cast %get3A_71 : vector<1x16xf32> to vector<16xf32>
      %bitcast_convert_type3A_73 = tpu.bitcast %get3A_72 : vector<16xf32> -> vector<16xi32>
      %select_n3A_74 = arith.select %lt3A_66, %bitcast_convert_type3A_73, %select_n3A_60 : vector<16xi1>, vector<16xi32>
      %get3A_75 = arith.constant 3 : i32
      %get3A_76 = arith.index_cast %get3A_75 : i32 to index
      %get3A_77 = arith.index_cast %mul3A_37 : i32 to index
      %get3A_78 = tpu.vector_load %arg4[%get3A_76, %get3A_77] {strides = array<i32>} : memref<16x128xf32, #tpu.memory_space<vmem>>, vector<1x16xf32>,
      %get3A_79 = vector.shape_cast %get3A_78 : vector<1x16xf32> to vector<16xf32>
      %lt3A_80 = arith.cmpf olt, %get3A_79, %select_n3A_67 : vector<16xf32>
      %select_n3A_81 = arith.select %lt3A_80, %get3A_79, %select_n3A_67 : vector<16xi1>, vector<16xf32>
      %get3A_82 = arith.constant 11 : i32
      %get3A_83 = arith.index_cast %get3A_82 : i32 to index
      %get3A_84 = arith.index_cast %mul3A_37 : i32 to index
      %get3A_85 = tpu.vector_load %arg4[%get3A_83, %get3A_84] {strides = array<i32>} : memref<16x128xf32, #tpu.memory_space<vmem>>, vector<1x16xf32>,
      %get3A_86 = vector.shape_cast %get3A_85 : vector<1x16xf32> to vector<16xf32>
      %bitcast_convert_type3A_87 = tpu.bitcast %get3A_86 : vector<16xf32> -> vector<16xi32>
      %select_n3A_88 = arith.select %lt3A_80, %bitcast_convert_type3A_87, %select_n3A_74 : vector<16xi1>, vector<16xi32>
      %get3A_89 = arith.constant 4 : i32
      %get3A_90 = arith.index_cast %get3A_89 : i32 to index
      %get3A_91 = arith.index_cast %mul3A_37 : i32 to index
      %get3A_92 = tpu.vector_load %arg4[%get3A_90, %get3A_91] {strides = array<i32>} : memref<16x128xf32, #tpu.memory_space<vmem>>, vector<1x16xf32>,
      %get3A_93 = vector.shape_cast %get3A_92 : vector<1x16xf32> to vector<16xf32>
      %lt3A_94 = arith.cmpf olt, %get3A_93, %select_n3A_81 : vector<16xf32>
      %select_n3A_95 = arith.select %lt3A_94, %get3A_93, %select_n3A_81 : vector<16xi1>, vector<16xf32>
      %get3A_96 = arith.constant 12 : i32
      %get3A_97 = arith.index_cast %get3A_96 : i32 to index
      %get3A_98 = arith.index_cast %mul3A_37 : i32 to index
      %get3A_99 = tpu.vector_load %arg4[%get3A_97, %get3A_98] {strides = array<i32>} : memref<16x128xf32, #tpu.memory_space<vmem>>, vector<1x16xf32>,
      %get3A_100 = vector.shape_cast %get3A_99 : vector<1x16xf32> to vector<16xf32>
      %bitcast_convert_type3A_101 = tpu.bitcast %get3A_100 : vector<16xf32> -> vector<16xi32>
      %select_n3A_102 = arith.select %lt3A_94, %bitcast_convert_type3A_101, %select_n3A_88 : vector<16xi1>, vector<16xi32>
      %get3A_103 = arith.constant 5 : i32
      %get3A_104 = arith.index_cast %get3A_103 : i32 to index
      %get3A_105 = arith.index_cast %mul3A_37 : i32 to index
      %get3A_106 = tpu.vector_load %arg4[%get3A_104, %get3A_105] {strides = array<i32>} : memref<16x128xf32, #tpu.memory_space<vmem>>, vector<1x16xf32>,
      %get3A_107 = vector.shape_cast %get3A_106 : vector<1x16xf32> to vector<16xf32>
      %lt3A_108 = arith.cmpf olt, %get3A_107, %select_n3A_95 : vector<16xf32>
      %select_n3A_109 = arith.select %lt3A_108, %get3A_107, %select_n3A_95 : vector<16xi1>, vector<16xf32>
      %get3A_110 = arith.constant 13 : i32
      %get3A_111 = arith.index_cast %get3A_110 : i32 to index
      %get3A_112 = arith.index_cast %mul3A_37 : i32 to index
      %get3A_113 = tpu.vector_load %arg4[%get3A_111, %get3A_112] {strides = array<i32>} : memref<16x128xf32, #tpu.memory_space<vmem>>, vector<1x16xf32>,
      %get3A_114 = vector.shape_cast %get3A_113 : vector<1x16xf32> to vector<16xf32>
      %bitcast_convert_type3A_115 = tpu.bitcast %get3A_114 : vector<16xf32> -> vector<16xi32>
      %select_n3A_116 = arith.select %lt3A_108, %bitcast_convert_type3A_115, %select_n3A_102 : vector<16xi1>, vector<16xi32>
      %get3A_117 = arith.constant 6 : i32
      %get3A_118 = arith.index_cast %get3A_117 : i32 to index
      %get3A_119 = arith.index_cast %mul3A_37 : i32 to index
      %get3A_120 = tpu.vector_load %arg4[%get3A_118, %get3A_119] {strides = array<i32>} : memref<16x128xf32, #tpu.memory_space<vmem>>, vector<1x16xf32>,
      %get3A_121 = vector.shape_cast %get3A_120 : vector<1x16xf32> to vector<16xf32>
      %lt3A_122 = arith.cmpf olt, %get3A_121, %select_n3A_109 : vector<16xf32>
      %select_n3A_123 = arith.select %lt3A_122, %get3A_121, %select_n3A_109 : vector<16xi1>, vector<16xf32>
      %get3A_124 = arith.constant 14 : i32
      %get3A_125 = arith.index_cast %get3A_124 : i32 to index
      %get3A_126 = arith.index_cast %mul3A_37 : i32 to index
      %get3A_127 = tpu.vector_load %arg4[%get3A_125, %get3A_126] {strides = array<i32>} : memref<16x128xf32, #tpu.memory_space<vmem>>, vector<1x16xf32>,
      %get3A_128 = vector.shape_cast %get3A_127 : vector<1x16xf32> to vector<16xf32>
      %bitcast_convert_type3A_129 = tpu.bitcast %get3A_128 : vector<16xf32> -> vector<16xi32>
      %select_n3A_130 = arith.select %lt3A_122, %bitcast_convert_type3A_129, %select_n3A_116 : vector<16xi1>, vector<16xi32>
      %get3A_131 = arith.constant 7 : i32
      %get3A_132 = arith.index_cast %get3A_131 : i32 to index
      %get3A_133 = arith.index_cast %mul3A_37 : i32 to index
      %get3A_134 = tpu.vector_load %arg4[%get3A_132, %get3A_133] {strides = array<i32>} : memref<16x128xf32, #tpu.memory_space<vmem>>, vector<1x16xf32>,
      %get3A_135 = vector.shape_cast %get3A_134 : vector<1x16xf32> to vector<16xf32>
      %lt3A_136 = arith.cmpf olt, %get3A_135, %select_n3A_123 : vector<16xf32>
      %select_n3A_137 = arith.select %lt3A_136, %get3A_135, %select_n3A_123 : vector<16xi1>, vector<16xf32>
      %get3A_138 = arith.constant 15 : i32
      %get3A_139 = arith.index_cast %get3A_138 : i32 to index
      %get3A_140 = arith.index_cast %mul3A_37 : i32 to index
      %get3A_141 = tpu.vector_load %arg4[%get3A_139, %get3A_140] {strides = array<i32>} : memref<16x128xf32, #tpu.memory_space<vmem>>, vector<1x16xf32>,
      %get3A_142 = vector.shape_cast %get3A_141 : vector<1x16xf32> to vector<16xf32>
      %bitcast_convert_type3A_143 = tpu.bitcast %get3A_142 : vector<16xf32> -> vector<16xi32>
      %select_n3A_144 = arith.select %lt3A_136, %bitcast_convert_type3A_143, %select_n3A_130 : vector<16xi1>, vector<16xi32>
      %swap3A = arith.constant 0 : index
      %swap3A_145 = tpu.vector_load %arg5[%swap3A] {strides = array<i32>} : memref<16xi32, #tpu.memory_space<vmem>>, vector<16xi32>,
      %swap3A_146 = vector.shape_cast %swap3A_145 : vector<16xi32> to vector<16xi32>
      %swap3A_147 = vector.shape_cast %select_n3A_144 : vector<16xi32> to vector<16xi32>
      tpu.vector_store %arg5[%swap3A], %swap3A_147 {strides = array<i32>} : memref<16xi32, #tpu.memory_space<vmem>>, vector<16xi32>,
      "tpu.region"() ({
        %run_scoped3A = tpu.sem_alloc : memref<!tpu.dma_semaphore, #tpu.memory_space<semaphore_mem>>
        %dma_start3A = arith.constant 0 : i32
        %dma_start3A_148 = tpu.memref_slice %arg3[%add3A, %dma_start3A] : memref<25x16xi32, #tpu.memory_space<hbm>> -> memref<1x16xi32, #tpu.memory_space<hbm>>
        %dma_start3A_149 = tpu.memref_squeeze %dma_start3A_148 : memref<1x16xi32, #tpu.memory_space<hbm>> -> memref<16xi32, #tpu.memory_space<hbm>>
        %dma_start3A_150 = arith.constant 0 : i32
        %dma_start3A_151 = tpu.memref_slice %arg3[%add3A, %dma_start3A_150] : memref<25x16xi32, #tpu.memory_space<hbm>> -> memref<1x16xi32, #tpu.memory_space<hbm>>
        %dma_start3A_152 = tpu.memref_squeeze %dma_start3A_151 : memref<1x16xi32, #tpu.memory_space<hbm>> -> memref<16xi32, #tpu.memory_space<hbm>>
        tpu.enqueue_dma source(%arg5 : memref<16xi32, #tpu.memory_space<vmem>>) target(%dma_start3A_152 : memref<16xi32, #tpu.memory_space<hbm>>) target_semaphore(%run_scoped3A : memref<!tpu.dma_semaphore, #tpu.memory_space<semaphore_mem>>)
        %dma_wait3A = arith.constant 0 : i32
        %dma_wait3A_153 = tpu.memref_slice %arg3[%add3A, %dma_wait3A] : memref<25x16xi32, #tpu.memory_space<hbm>> -> memref<1x16xi32, #tpu.memory_space<hbm>>
        %dma_wait3A_154 = tpu.memref_squeeze %dma_wait3A_153 : memref<1x16xi32, #tpu.memory_space<hbm>> -> memref<16xi32, #tpu.memory_space<hbm>>
        %dma_wait3A_155 = arith.constant 0 : i32
        %dma_wait3A_156 = tpu.memref_slice %arg3[%add3A, %dma_wait3A_155] : memref<25x16xi32, #tpu.memory_space<hbm>> -> memref<1x16xi32, #tpu.memory_space<hbm>>
        %dma_wait3A_157 = tpu.memref_squeeze %dma_wait3A_156 : memref<1x16xi32, #tpu.memory_space<hbm>> -> memref<16xi32, #tpu.memory_space<hbm>>
        tpu.wait_dma2 semaphore(%run_scoped3A : memref<!tpu.dma_semaphore, #tpu.memory_space<semaphore_mem>>) src(%arg5 : memref<16xi32, #tpu.memory_space<vmem>>) dst(%dma_wait3A_157 : memref<16xi32, #tpu.memory_space<hbm>>)
        tpu.yield
      }) : () -> ()
    } else {
    }
    return
  }
}

module attributes {stable_mosaic.version = 14 : i64} {
  func.func @_dist_body(%arg0: memref<400x128xf32, #tpu.memory_space<vmem>>, %arg1: memref<1000x128xf32, #tpu.memory_space<vmem>>, %arg2: memref<16x512xf32, #tpu.memory_space<vmem>>) attributes {dimension_semantics = [], scalar_prefetch = 0 : i64, scratch_operands = 0 : i64, tpu.core_type = #tpu.core_type<tc>} {
    %get3A = arith.constant 0 : index
    %get3A_0 = arith.constant 0 : index
    %get3A_1 = vector.load %arg0[%get3A, %get3A_0] : memref<400x128xf32, #tpu.memory_space<vmem>>, vector<400x128xf32>
    %get3A_2 = arith.constant 0 : index
    %get3A_3 = arith.constant 0 : index
    %get3A_4 = vector.load %arg1[%get3A_2, %get3A_3] : memref<1000x128xf32, #tpu.memory_space<vmem>>, vector<1000x128xf32>
    %mul3A = arith.mulf %get3A_4, %get3A_4 : vector<1000x128xf32>
    %reduce_sum3A = arith.constant dense<0.000000e+00> : vector<1000xf32>
    %reduce_sum3A_5 = vector.multi_reduction <add>, %mul3A, %reduce_sum3A [1] : vector<1000x128xf32> to vector<1000xf32>
    %dot_general3A = arith.constant dense<0.000000e+00> : vector<1000x400xf32>
    %dot_general3A_6 = tpu.matmul %get3A_4, %get3A_1, %dot_general3A {dimension_numbers = #tpu.dot_dimension_numbers<[1], [1], [0], [0], [0, 0, 1, 0], [], []>, precision = #tpu.contract_precision<fp32>, transpose_lhs_hint = false} : vector<1000x128xf32>, vector<400x128xf32>, vector<1000x400xf32> -> vector<1000x400xf32>
    %broadcast_in_dim3A = vector.shape_cast %reduce_sum3A_5 : vector<1000xf32> to vector<1000x1xf32>
    %mul3A_7 = arith.constant 2.000000e+00 : f32
    %mul3A_8 = vector.broadcast %mul3A_7 : f32 to vector<1000x400xf32>
    %mul3A_9 = arith.mulf %mul3A_8, %dot_general3A_6 : vector<1000x400xf32>
    %sub3A = vector.broadcast %broadcast_in_dim3A : vector<1000x1xf32> to vector<1000x400xf32>
    %sub3A_10 = arith.subf %sub3A, %mul3A_9 : vector<1000x400xf32>
    %slice3A = vector.extract_strided_slice %sub3A_10 {offsets = [0, 0], sizes = [128, 400], strides = [1, 1]} : vector<1000x400xf32> to vector<128x400xf32>
    %argmin3A = tpu.reduce_index %slice3A {axis = 0 : i32, kind = #tpu.reduction_kind<arg_min>} : vector<128x400xf32> -> vector<400xi32>
    %add3A = arith.constant 0 : i32
    %add3A_11 = vector.broadcast %add3A : i32 to vector<400xi32>
    %add3A_12 = arith.addi %argmin3A, %add3A_11 : vector<400xi32>
    %reduce_min3A = arith.constant dense<0x7F800000> : vector<400xf32>
    %reduce_min3A_13 = vector.multi_reduction <minimumf>, %slice3A, %reduce_min3A [0] : vector<128x400xf32> to vector<400xf32>
    %swap3A = arith.constant 0 : index
    %swap3A_14 = arith.constant 0 : index
    %swap3A_15 = vector.load %arg2[%swap3A, %swap3A_14] : memref<16x512xf32, #tpu.memory_space<vmem>>, vector<1x400xf32>
    %swap3A_16 = vector.shape_cast %swap3A_15 : vector<1x400xf32> to vector<400xf32>
    %swap3A_17 = vector.shape_cast %reduce_min3A_13 : vector<400xf32> to vector<1x400xf32>
    tpu.vector_store %arg2[%swap3A, %swap3A_14], %swap3A_17 {strides = array<i32>} : memref<16x512xf32, #tpu.memory_space<vmem>>, vector<1x400xf32>,
    %bitcast_convert_type3A = tpu.bitcast %add3A_12 : vector<400xi32> -> vector<400xf32>
    %swap3A_18 = arith.constant 8 : index
    %swap3A_19 = arith.constant 0 : index
    %swap3A_20 = vector.load %arg2[%swap3A_18, %swap3A_19] : memref<16x512xf32, #tpu.memory_space<vmem>>, vector<1x400xf32>
    %swap3A_21 = vector.shape_cast %swap3A_20 : vector<1x400xf32> to vector<400xf32>
    %swap3A_22 = vector.shape_cast %bitcast_convert_type3A : vector<400xf32> to vector<1x400xf32>
    tpu.vector_store %arg2[%swap3A_18, %swap3A_19], %swap3A_22 {strides = array<i32>} : memref<16x512xf32, #tpu.memory_space<vmem>>, vector<1x400xf32>,
    %slice3A_23 = vector.extract_strided_slice %sub3A_10 {offsets = [128, 0], sizes = [128, 400], strides = [1, 1]} : vector<1000x400xf32> to vector<128x400xf32>
    %argmin3A_24 = tpu.reduce_index %slice3A_23 {axis = 0 : i32, kind = #tpu.reduction_kind<arg_min>} : vector<128x400xf32> -> vector<400xi32>
    %add3A_25 = arith.constant 128 : i32
    %add3A_26 = vector.broadcast %add3A_25 : i32 to vector<400xi32>
    %add3A_27 = arith.addi %argmin3A_24, %add3A_26 : vector<400xi32>
    %reduce_min3A_28 = arith.constant dense<0x7F800000> : vector<400xf32>
    %reduce_min3A_29 = vector.multi_reduction <minimumf>, %slice3A_23, %reduce_min3A_28 [0] : vector<128x400xf32> to vector<400xf32>
    %swap3A_30 = arith.constant 1 : index
    %swap3A_31 = arith.constant 0 : index
    %swap3A_32 = vector.load %arg2[%swap3A_30, %swap3A_31] : memref<16x512xf32, #tpu.memory_space<vmem>>, vector<1x400xf32>
    %swap3A_33 = vector.shape_cast %swap3A_32 : vector<1x400xf32> to vector<400xf32>
    %swap3A_34 = vector.shape_cast %reduce_min3A_29 : vector<400xf32> to vector<1x400xf32>
    tpu.vector_store %arg2[%swap3A_30, %swap3A_31], %swap3A_34 {strides = array<i32>} : memref<16x512xf32, #tpu.memory_space<vmem>>, vector<1x400xf32>,
    %bitcast_convert_type3A_35 = tpu.bitcast %add3A_27 : vector<400xi32> -> vector<400xf32>
    %swap3A_36 = arith.constant 9 : index
    %swap3A_37 = arith.constant 0 : index
    %swap3A_38 = vector.load %arg2[%swap3A_36, %swap3A_37] : memref<16x512xf32, #tpu.memory_space<vmem>>, vector<1x400xf32>
    %swap3A_39 = vector.shape_cast %swap3A_38 : vector<1x400xf32> to vector<400xf32>
    %swap3A_40 = vector.shape_cast %bitcast_convert_type3A_35 : vector<400xf32> to vector<1x400xf32>
    tpu.vector_store %arg2[%swap3A_36, %swap3A_37], %swap3A_40 {strides = array<i32>} : memref<16x512xf32, #tpu.memory_space<vmem>>, vector<1x400xf32>,
    %slice3A_41 = vector.extract_strided_slice %sub3A_10 {offsets = [256, 0], sizes = [128, 400], strides = [1, 1]} : vector<1000x400xf32> to vector<128x400xf32>
    %argmin3A_42 = tpu.reduce_index %slice3A_41 {axis = 0 : i32, kind = #tpu.reduction_kind<arg_min>} : vector<128x400xf32> -> vector<400xi32>
    %add3A_43 = arith.constant 256 : i32
    %add3A_44 = vector.broadcast %add3A_43 : i32 to vector<400xi32>
    %add3A_45 = arith.addi %argmin3A_42, %add3A_44 : vector<400xi32>
    %reduce_min3A_46 = arith.constant dense<0x7F800000> : vector<400xf32>
    %reduce_min3A_47 = vector.multi_reduction <minimumf>, %slice3A_41, %reduce_min3A_46 [0] : vector<128x400xf32> to vector<400xf32>
    %swap3A_48 = arith.constant 2 : index
    %swap3A_49 = arith.constant 0 : index
    %swap3A_50 = vector.load %arg2[%swap3A_48, %swap3A_49] : memref<16x512xf32, #tpu.memory_space<vmem>>, vector<1x400xf32>
    %swap3A_51 = vector.shape_cast %swap3A_50 : vector<1x400xf32> to vector<400xf32>
    %swap3A_52 = vector.shape_cast %reduce_min3A_47 : vector<400xf32> to vector<1x400xf32>
    tpu.vector_store %arg2[%swap3A_48, %swap3A_49], %swap3A_52 {strides = array<i32>} : memref<16x512xf32, #tpu.memory_space<vmem>>, vector<1x400xf32>,
    %bitcast_convert_type3A_53 = tpu.bitcast %add3A_45 : vector<400xi32> -> vector<400xf32>
    %swap3A_54 = arith.constant 10 : index
    %swap3A_55 = arith.constant 0 : index
    %swap3A_56 = vector.load %arg2[%swap3A_54, %swap3A_55] : memref<16x512xf32, #tpu.memory_space<vmem>>, vector<1x400xf32>
    %swap3A_57 = vector.shape_cast %swap3A_56 : vector<1x400xf32> to vector<400xf32>
    %swap3A_58 = vector.shape_cast %bitcast_convert_type3A_53 : vector<400xf32> to vector<1x400xf32>
    tpu.vector_store %arg2[%swap3A_54, %swap3A_55], %swap3A_58 {strides = array<i32>} : memref<16x512xf32, #tpu.memory_space<vmem>>, vector<1x400xf32>,
    %slice3A_59 = vector.extract_strided_slice %sub3A_10 {offsets = [384, 0], sizes = [128, 400], strides = [1, 1]} : vector<1000x400xf32> to vector<128x400xf32>
    %argmin3A_60 = tpu.reduce_index %slice3A_59 {axis = 0 : i32, kind = #tpu.reduction_kind<arg_min>} : vector<128x400xf32> -> vector<400xi32>
    %add3A_61 = arith.constant 384 : i32
    %add3A_62 = vector.broadcast %add3A_61 : i32 to vector<400xi32>
    %add3A_63 = arith.addi %argmin3A_60, %add3A_62 : vector<400xi32>
    %reduce_min3A_64 = arith.constant dense<0x7F800000> : vector<400xf32>
    %reduce_min3A_65 = vector.multi_reduction <minimumf>, %slice3A_59, %reduce_min3A_64 [0] : vector<128x400xf32> to vector<400xf32>
    %swap3A_66 = arith.constant 3 : index
    %swap3A_67 = arith.constant 0 : index
    %swap3A_68 = vector.load %arg2[%swap3A_66, %swap3A_67] : memref<16x512xf32, #tpu.memory_space<vmem>>, vector<1x400xf32>
    %swap3A_69 = vector.shape_cast %swap3A_68 : vector<1x400xf32> to vector<400xf32>
    %swap3A_70 = vector.shape_cast %reduce_min3A_65 : vector<400xf32> to vector<1x400xf32>
    tpu.vector_store %arg2[%swap3A_66, %swap3A_67], %swap3A_70 {strides = array<i32>} : memref<16x512xf32, #tpu.memory_space<vmem>>, vector<1x400xf32>,
    %bitcast_convert_type3A_71 = tpu.bitcast %add3A_63 : vector<400xi32> -> vector<400xf32>
    %swap3A_72 = arith.constant 11 : index
    %swap3A_73 = arith.constant 0 : index
    %swap3A_74 = vector.load %arg2[%swap3A_72, %swap3A_73] : memref<16x512xf32, #tpu.memory_space<vmem>>, vector<1x400xf32>
    %swap3A_75 = vector.shape_cast %swap3A_74 : vector<1x400xf32> to vector<400xf32>
    %swap3A_76 = vector.shape_cast %bitcast_convert_type3A_71 : vector<400xf32> to vector<1x400xf32>
    tpu.vector_store %arg2[%swap3A_72, %swap3A_73], %swap3A_76 {strides = array<i32>} : memref<16x512xf32, #tpu.memory_space<vmem>>, vector<1x400xf32>,
    %slice3A_77 = vector.extract_strided_slice %sub3A_10 {offsets = [512, 0], sizes = [128, 400], strides = [1, 1]} : vector<1000x400xf32> to vector<128x400xf32>
    %argmin3A_78 = tpu.reduce_index %slice3A_77 {axis = 0 : i32, kind = #tpu.reduction_kind<arg_min>} : vector<128x400xf32> -> vector<400xi32>
    %add3A_79 = arith.constant 512 : i32
    %add3A_80 = vector.broadcast %add3A_79 : i32 to vector<400xi32>
    %add3A_81 = arith.addi %argmin3A_78, %add3A_80 : vector<400xi32>
    %reduce_min3A_82 = arith.constant dense<0x7F800000> : vector<400xf32>
    %reduce_min3A_83 = vector.multi_reduction <minimumf>, %slice3A_77, %reduce_min3A_82 [0] : vector<128x400xf32> to vector<400xf32>
    %swap3A_84 = arith.constant 4 : index
    %swap3A_85 = arith.constant 0 : index
    %swap3A_86 = vector.load %arg2[%swap3A_84, %swap3A_85] : memref<16x512xf32, #tpu.memory_space<vmem>>, vector<1x400xf32>
    %swap3A_87 = vector.shape_cast %swap3A_86 : vector<1x400xf32> to vector<400xf32>
    %swap3A_88 = vector.shape_cast %reduce_min3A_83 : vector<400xf32> to vector<1x400xf32>
    tpu.vector_store %arg2[%swap3A_84, %swap3A_85], %swap3A_88 {strides = array<i32>} : memref<16x512xf32, #tpu.memory_space<vmem>>, vector<1x400xf32>,
    %bitcast_convert_type3A_89 = tpu.bitcast %add3A_81 : vector<400xi32> -> vector<400xf32>
    %swap3A_90 = arith.constant 12 : index
    %swap3A_91 = arith.constant 0 : index
    %swap3A_92 = vector.load %arg2[%swap3A_90, %swap3A_91] : memref<16x512xf32, #tpu.memory_space<vmem>>, vector<1x400xf32>
    %swap3A_93 = vector.shape_cast %swap3A_92 : vector<1x400xf32> to vector<400xf32>
    %swap3A_94 = vector.shape_cast %bitcast_convert_type3A_89 : vector<400xf32> to vector<1x400xf32>
    tpu.vector_store %arg2[%swap3A_90, %swap3A_91], %swap3A_94 {strides = array<i32>} : memref<16x512xf32, #tpu.memory_space<vmem>>, vector<1x400xf32>,
    %slice3A_95 = vector.extract_strided_slice %sub3A_10 {offsets = [640, 0], sizes = [128, 400], strides = [1, 1]} : vector<1000x400xf32> to vector<128x400xf32>
    %argmin3A_96 = tpu.reduce_index %slice3A_95 {axis = 0 : i32, kind = #tpu.reduction_kind<arg_min>} : vector<128x400xf32> -> vector<400xi32>
    %add3A_97 = arith.constant 640 : i32
    %add3A_98 = vector.broadcast %add3A_97 : i32 to vector<400xi32>
    %add3A_99 = arith.addi %argmin3A_96, %add3A_98 : vector<400xi32>
    %reduce_min3A_100 = arith.constant dense<0x7F800000> : vector<400xf32>
    %reduce_min3A_101 = vector.multi_reduction <minimumf>, %slice3A_95, %reduce_min3A_100 [0] : vector<128x400xf32> to vector<400xf32>
    %swap3A_102 = arith.constant 5 : index
    %swap3A_103 = arith.constant 0 : index
    %swap3A_104 = vector.load %arg2[%swap3A_102, %swap3A_103] : memref<16x512xf32, #tpu.memory_space<vmem>>, vector<1x400xf32>
    %swap3A_105 = vector.shape_cast %swap3A_104 : vector<1x400xf32> to vector<400xf32>
    %swap3A_106 = vector.shape_cast %reduce_min3A_101 : vector<400xf32> to vector<1x400xf32>
    tpu.vector_store %arg2[%swap3A_102, %swap3A_103], %swap3A_106 {strides = array<i32>} : memref<16x512xf32, #tpu.memory_space<vmem>>, vector<1x400xf32>,
    %bitcast_convert_type3A_107 = tpu.bitcast %add3A_99 : vector<400xi32> -> vector<400xf32>
    %swap3A_108 = arith.constant 13 : index
    %swap3A_109 = arith.constant 0 : index
    %swap3A_110 = vector.load %arg2[%swap3A_108, %swap3A_109] : memref<16x512xf32, #tpu.memory_space<vmem>>, vector<1x400xf32>
    %swap3A_111 = vector.shape_cast %swap3A_110 : vector<1x400xf32> to vector<400xf32>
    %swap3A_112 = vector.shape_cast %bitcast_convert_type3A_107 : vector<400xf32> to vector<1x400xf32>
    tpu.vector_store %arg2[%swap3A_108, %swap3A_109], %swap3A_112 {strides = array<i32>} : memref<16x512xf32, #tpu.memory_space<vmem>>, vector<1x400xf32>,
    %slice3A_113 = vector.extract_strided_slice %sub3A_10 {offsets = [768, 0], sizes = [128, 400], strides = [1, 1]} : vector<1000x400xf32> to vector<128x400xf32>
    %argmin3A_114 = tpu.reduce_index %slice3A_113 {axis = 0 : i32, kind = #tpu.reduction_kind<arg_min>} : vector<128x400xf32> -> vector<400xi32>
    %add3A_115 = arith.constant 768 : i32
    %add3A_116 = vector.broadcast %add3A_115 : i32 to vector<400xi32>
    %add3A_117 = arith.addi %argmin3A_114, %add3A_116 : vector<400xi32>
    %reduce_min3A_118 = arith.constant dense<0x7F800000> : vector<400xf32>
    %reduce_min3A_119 = vector.multi_reduction <minimumf>, %slice3A_113, %reduce_min3A_118 [0] : vector<128x400xf32> to vector<400xf32>
    %swap3A_120 = arith.constant 6 : index
    %swap3A_121 = arith.constant 0 : index
    %swap3A_122 = vector.load %arg2[%swap3A_120, %swap3A_121] : memref<16x512xf32, #tpu.memory_space<vmem>>, vector<1x400xf32>
    %swap3A_123 = vector.shape_cast %swap3A_122 : vector<1x400xf32> to vector<400xf32>
    %swap3A_124 = vector.shape_cast %reduce_min3A_119 : vector<400xf32> to vector<1x400xf32>
    tpu.vector_store %arg2[%swap3A_120, %swap3A_121], %swap3A_124 {strides = array<i32>} : memref<16x512xf32, #tpu.memory_space<vmem>>, vector<1x400xf32>,
    %bitcast_convert_type3A_125 = tpu.bitcast %add3A_117 : vector<400xi32> -> vector<400xf32>
    %swap3A_126 = arith.constant 14 : index
    %swap3A_127 = arith.constant 0 : index
    %swap3A_128 = vector.load %arg2[%swap3A_126, %swap3A_127] : memref<16x512xf32, #tpu.memory_space<vmem>>, vector<1x400xf32>
    %swap3A_129 = vector.shape_cast %swap3A_128 : vector<1x400xf32> to vector<400xf32>
    %swap3A_130 = vector.shape_cast %bitcast_convert_type3A_125 : vector<400xf32> to vector<1x400xf32>
    tpu.vector_store %arg2[%swap3A_126, %swap3A_127], %swap3A_130 {strides = array<i32>} : memref<16x512xf32, #tpu.memory_space<vmem>>, vector<1x400xf32>,
    %slice3A_131 = vector.extract_strided_slice %sub3A_10 {offsets = [896, 0], sizes = [104, 400], strides = [1, 1]} : vector<1000x400xf32> to vector<104x400xf32>
    %argmin3A_132 = tpu.reduce_index %slice3A_131 {axis = 0 : i32, kind = #tpu.reduction_kind<arg_min>} : vector<104x400xf32> -> vector<400xi32>
    %add3A_133 = arith.constant 896 : i32
    %add3A_134 = vector.broadcast %add3A_133 : i32 to vector<400xi32>
    %add3A_135 = arith.addi %argmin3A_132, %add3A_134 : vector<400xi32>
    %reduce_min3A_136 = arith.constant dense<0x7F800000> : vector<400xf32>
    %reduce_min3A_137 = vector.multi_reduction <minimumf>, %slice3A_131, %reduce_min3A_136 [0] : vector<104x400xf32> to vector<400xf32>
    %swap3A_138 = arith.constant 7 : index
    %swap3A_139 = arith.constant 0 : index
    %swap3A_140 = vector.load %arg2[%swap3A_138, %swap3A_139] : memref<16x512xf32, #tpu.memory_space<vmem>>, vector<1x400xf32>
    %swap3A_141 = vector.shape_cast %swap3A_140 : vector<1x400xf32> to vector<400xf32>
    %swap3A_142 = vector.shape_cast %reduce_min3A_137 : vector<400xf32> to vector<1x400xf32>
    tpu.vector_store %arg2[%swap3A_138, %swap3A_139], %swap3A_142 {strides = array<i32>} : memref<16x512xf32, #tpu.memory_space<vmem>>, vector<1x400xf32>,
    %bitcast_convert_type3A_143 = tpu.bitcast %add3A_135 : vector<400xi32> -> vector<400xf32>
    %swap3A_144 = arith.constant 15 : index
    %swap3A_145 = arith.constant 0 : index
    %swap3A_146 = vector.load %arg2[%swap3A_144, %swap3A_145] : memref<16x512xf32, #tpu.memory_space<vmem>>, vector<1x400xf32>
    %swap3A_147 = vector.shape_cast %swap3A_146 : vector<1x400xf32> to vector<400xf32>
    %swap3A_148 = vector.shape_cast %bitcast_convert_type3A_143 : vector<400xf32> to vector<1x400xf32>
    tpu.vector_store %arg2[%swap3A_144, %swap3A_145], %swap3A_148 {strides = array<i32>} : memref<16x512xf32, #tpu.memory_space<vmem>>, vector<1x400xf32>,
    return
  }
}

</mosaic_0001>

<sc_bundles>
// kernel: kernel.4.cloned.1.call-start
scs
__scs_entry_jumppad:
0x0: {  	(pc) =	sbr.rel $0x88, $3  }
0x1: {  	(tag) =	ssettag $0x0;
	lr =	simm.s32 $0x1  }
0x2: {  	[smem:$0x3F9F] =	sst lr;
	_ =	strace $0xD0000000  }
0x3: {  	_ = 	snop  }
0x4: {  	_ = 	snop  }
0x5: {  	_ = 	snop  }
0x6: {  	_ = 	snop  }
0x7: {  	_ = 	snop  }
__scs_overlays_trampoline_lowered:
0x8: {  	[smem:$0x3FAE] =	sst s0  }
0x9: {  	[smem:$0x3FAF] =	sst s1  }
0xa: {  	[smem:$0x3FB0] =	sst s2  }
0xb: {  	[smem:$0x3FB1] =	sst s3  }
0xc: {  	[smem:$0x3FB2] =	sst s4  }
0xd: {  	[smem:$0x3FB3] =	sst s5  }
0xe: {  	[smem:$0x3FB4] =	sst s6  }
0xf: {  	[smem:$0x3FB5] =	sst s7  }
0x10: {  	[smem:$0x3FB6] =	sst s8  }
0x11: {  	[smem:$0x3FB7] =	sst s9;
	s0 =	simm.s32 @!p0 $0x0  }
0x12: {  	s1 =	sld [smem:$0x3F9D];
	s0 =	simm.s32 @p0 $0x1  }
0x13: {  	[smem:$0x3FB8] =	sst s0;
	s0 =	simm.s32 @!p1 $0x0  }
0x14: {  	s2 =	sld [smem:$0x3F9C];
	s0 =	simm.s32 @p1 $0x1  }
0x15: {  	[smem:$0x3FB9] =	sst s0;
	s0 =	simm.s32 @!p2 $0x0  }
0x16: {  	s3 =	sld [smem:$0x3FDB];
	s0 =	simm.s32 @p2 $0x1  }
0x17: {  	s4 =	simm.s32 $0x1BF5;
	[smem:$0x3FBB] =	sst s0  }
0x18: {  	s0 =	sld [smem:$0x3F9E];
	_ =	swait.ge [sflag:s4], $0x0  }
0x19: {  	s7 =	sld [smem:$0x3F9F]  }
0x1a: {  	s8 =	sadd.s32 $0xFFFFE003, lr  }
0x1b: {  	s9 =	sadd.s32 $0xFFFFFEF7, lr;
	s5 =	simm.s32 $0xFFFFFFFF;
	p2 =	slt.u32 s8, $0xFFFFF086  }
0x1c: {  	p1 =	slt.u32 s9, $0xF7A;
	s5 =	simm.s32 @!p2 $0x0  }
0x1d: {  	s5 =	simm.s32 @p1 $0x1;
	p0 =	seq.s32 s7, s2  }
0x1e: {  	s7 =	smul.u32 @!p0 $0xF7A, s2;
	p2 =	seq.s32 @!p0 s5, $0x0  }
0x1f: {  	s9 =	smul.u32 $0xF7A, s1;
	s8 =	simm.s32 @!p0 $0x1BF5;
	p2 =	por !p2, p0  }
0x20: {  	[sflag:s8] =	ssyncset.s32 @!p0 $0xFFFFF086;
	s6 =	sadd.s32 @!p0 s3, s7;
	s7 =	simm.s32 @!p0 $0x108  }
0x21: {  	s3 =	sadd.s32 s3, s9;
	s6 =	sadd.s32 @!p0 $0x88, s6;
	s7 =	simm.s32 @p2 $0x1082  }
0x22: {  	[simem:s7], [sflag:s8] =	dma.local @!p0 [hbm:s6], $0xF7A  }
0x23: {  	s9 =	sor.u32 $0xD0000000, s2;
	s6 =	simm.s32 $0x108;
	_ =	swait.ge @!p0 [sflag:s8], $0x0  }
0x24: {  	s3 =	sadd.s32 $0x88, s3;
	s6 =	simm.s32 @!p1 $0x1082;
	[sflag:s4] =	ssyncset.s32 $0xFFFFF086  }
0x25: {  	[simem:s6], [sflag:s4] =	dma.local [hbm:s3], $0xF7A  }
0x26: {  	[smem:$0x3F9F] =	sst s1;
	(tag) =	ssettag s2;
	_ =	strace s9  }
0x27: {  	s1 =	sld [smem:$0x3FAF]  }
0x28: {  	s2 =	sld [smem:$0x3FB0]  }
0x29: {  	s4 =	sld [smem:$0x3FB2]  }
0x2a: {  	p0 =	seq.s32 s5, $0x0;
	s5 =	sld [smem:$0x3FB3]  }
0x2b: {  	s6 =	sld [smem:$0x3FB4]  }
0x2c: {  	s7 =	sld [smem:$0x3FB5]  }
0x2d: {  	s3 =	simm.s32 $0x108;
	s8 =	sld [smem:$0x3FB6]  }
0x2e: {  	s3 =	simm.s32 @!p0 $0x1082;
	s9 =	sld [smem:$0x3FB7]  }
0x2f: {  	lr =	sadd.s32 s0, s3;
	s0 =	sld [smem:$0x3FAE]  }
0x30: {  	s3 =	sld [smem:$0x3FB1]  }
0x31: {  	[smem:$0x3FBA] =	sst s10  }
0x32: {  	s10 =	sld [smem:$0x3FB8];
	_ =	sdelay $0x3  }
0x33: {  	p0 =	seq.s32 s10, $0x1;
	s10 =	sld [smem:$0x3FBA];
	_ =	sdelay $0x3  }
0x34: {  	[smem:$0x3FBA] =	sst s10  }
0x35: {  	s10 =	sld [smem:$0x3FB9];
	_ =	sdelay $0x3  }
0x36: {  	p1 =	seq.s32 s10, $0x1;
	s10 =	sld [smem:$0x3FBA];
	_ =	sdelay $0x3  }
0x37: {  	[smem:$0x3FBA] =	sst s10  }
0x38: {  	s10 =	sld [smem:$0x3FBB]  }
0x39: {  	_ = 	snop;
	(pc) =	sbr.ind lr, $3  }
0x3a: {  	_ = 	snop  }
0x3b: {  	_ = 	snop  }
0x3c: {  	p2 =	seq.s32 s10, $0x1;
	s10 =	sld [smem:$0x3FBA]  }
0x3d: {  	_ =	shalt  }
0x3e: {  	_ =	shalt  }
0x3f: {  	_ =	shalt  }
0x40: {  	_ =	shalt  }
0x41: {  	_ =	shalt  }
0x42: {  	_ =	shalt  }
0x43: {  	_ =	shalt  }
0x44: {  	_ =	shalt  }
0x45: {  	_ =	shalt  }
0x46: {  	_ =	shalt  }
0x47: {  	_ =	shalt  }
0x48: {  	_ =	shalt  }
0x49: {  	_ =	shalt  }
0x4a: {  	_ =	shalt  }
0x4b: {  	_ =	shalt  }
0x4c: {  	_ =	shalt  }
0x4d: {  	_ =	shalt  }
0x4e: {  	_ =	shalt  }
0x4f: {  	_ =	shalt  }
0x50: {  	_ =	shalt  }
0x51: {  	_ =	shalt  }
0x52: {  	_ =	shalt  }
0x53: {  	_ =	shalt  }
0x54: {  	_ =	shalt  }
0x55: {  	_ =	shalt  }
0x56: {  	_ =	shalt  }
0x57: {  	_ =	shalt  }
0x58: {  	_ =	shalt  }
0x59: {  	_ =	shalt  }
0x5a: {  	_ =	shalt  }
0x5b: {  	_ =	shalt  }
0x5c: {  	_ =	shalt  }
0x5d: {  	_ =	shalt  }
0x5e: {  	_ =	shalt  }
0x5f: {  	_ =	shalt  }
0x60: {  	_ =	shalt  }
0x61: {  	_ =	shalt  }
0x62: {  	_ =	shalt  }
0x63: {  	_ =	shalt  }
0x64: {  	_ =	shalt  }
0x65: {  	_ =	shalt  }
0x66: {  	_ =	shalt  }
0x67: {  	_ =	shalt  }
0x68: {  	_ =	shalt  }
0x69: {  	_ =	shalt  }
0x6a: {  	_ =	shalt  }
0x6b: {  	_ =	shalt  }
0x6c: {  	_ =	shalt  }
0x6d: {  	_ =	shalt  }
0x6e: {  	_ =	shalt  }
0x6f: {  	_ =	shalt  }
0x70: {  	_ =	shalt  }
0x71: {  	_ =	shalt  }
0x72: {  	_ =	shalt  }
0x73: {  	_ =	shalt  }
0x74: {  	_ =	shalt  }
0x75: {  	_ =	shalt  }
0x76: {  	_ =	shalt  }
0x77: {  	_ =	shalt  }
0x78: {  	_ =	shalt  }
0x79: {  	_ =	shalt  }
0x7a: {  	_ =	shalt  }
0x7b: {  	_ =	shalt  }
0x7c: {  	_ =	shalt  }
0x7d: {  	_ =	shalt  }
0x7e: {  	_ =	shalt  }
0x7f: {  	_ =	shalt  }
0x80: {  	_ =	shalt  }
0x81: {  	_ =	shalt  }
0x82: {  	_ =	shalt  }
0x83: {  	_ =	shalt  }
0x84: {  	_ =	shalt  }
0x85: {  	_ =	shalt  }
0x86: {  	_ =	shalt  }
0x87: {  	_ =	shalt  }
.Lfunc_end0:
.L_simem_size_0:
called_computation_lowered:
.L_overlay_start_0:
0x88: {  	s2 =	sld [smem:$0x3FD9]  }
0x89: {  	s3 =	sld [smem:$0x3FFE];
	_ =	sdelay $0x1  }
0x8a: {  	s1 =	srdreg.scid  }
0x8b: {  	s0 =	sand.u32 $0x1, s1  }
0x8c: {  	s16 =	sshll.u32 s0, $0xA;
	s2 =	sadd.s32 s3, s2  }
0x8d: {  	s2 =	sadd.s32 s2, s16  }
0x8e: {  	[smem:$0x3FC6] =	sst s2  }
0x8f: {  	_ = 	snop  }
0x90: {  	(tm) =	ssettm $0x1  }
0x91: {  	s17 =	sld [smem:$0x3FFB];
	_ =	sdelay $0x3  }
0x92: {  	_ =	strace s17  }
0x93: {  	s2 =	sld [smem:$0x3FFC];
	_ =	sdelay $0x3  }
0x94: {  	_ =	strace s2  }
0x95: {  	s2 =	sld [smem:$0x3FFD];
	_ =	sdelay $0x3  }
0x96: {  	_ =	strace s2  }
0x97: {  	_ =	strace $0x8FFFFFFF  }
0x98: {  	s18 =	sld [smem:$0x3FDB];
	_ =	sdelay $0x1  }
0x99: {  	s19 =	simm.s32 $_scs_section_size  }
0x9a: {  	s4 =	simm.s32 $_size__tile_overlayer_lowered;
	s5 =	simm.s32 $_tile_overlayer_lowered  }
0x9b: {  	s22 =	simm.s32 $0x1BFF;
	s21 =	sshll.u32 s5, $0x1;
	s2 =	sadd.s32 s19, s18  }
0x9c: {  	s6 =	simm.s32 $0x0;
	s20 =	sshll.u32 s4, $0x1;
	s4 =	sadd.s32 s21, s2  }
0x9d: {  	[timem:s6], [sflag:s22] =	dma.local [hbm:s4], s20  }
0x9e: {  	_ =	swait.ge [sflag:s22], s20  }
0x9f: {  	s3 =	ssub.s32 $0x0, s20;
	[sflag:s22] =	ssyncset.done $0x0  }
0xa0: {  	[sflag:s22] =	ssyncadd.s32 s3;
	_ =	sdelay $0x1  }
0xa1: {  	s23 =	simm.s32 $0x1B8B  }
0xa2: {  	_ =	swait.ge [sflag:s23], $0x1  }
0xa3: {  	[sflag:s23] =	ssyncset.done $0x0  }
0xa4: {  	s25 =	simm.s32 $0x1B8E;
	s24 =	sld [smem:$0x3FFE];
	[sflag:s23] =	ssyncadd.s32 $0xFFFFFFFF  }
0xa5: {  	s26 =	simm.s32 $execute0_lowered;
	[smem:$0x3FD2] =	sst s25  }
0xa6: {  	s4 =	sshll.u32 s26, $0x1;
	_ =	strace $0x80000046;
	[dreg:$0x1] =	wrdreg $0xFFFFFFFF  }
0xa7: {  	s28 =	simm.s32 $_size_execute0_lowered;
	s2 =	sadd.s32 s2, s4;
	[dreg:$0x0] =	wrdreg $0x0  }
0xa8: {  	s4 =	sshll.u32 s28, $0x1;
	[dreg:$0x2] =	wrdreg s2  }
0xa9: {  	[dreg:$0x3] =	wrdreg s4  }
0xaa: {  	[dreg:$0x4] =	wrdreg $0xC0  }
0xab: {  	_ =	task [dreg:s6], $0x5FFFF  }
0xac: {  	[dreg:$0x1] =	wrdreg $0xFFFFFFFF  }
0xad: {  	[dreg:$0x0] =	wrdreg $0x60  }
0xae: {  	[dreg:$0x2] =	wrdreg s24  }
0xaf: {  	[dreg:$0x3] =	wrdreg $0x9  }
0xb0: {  	_ =	task.clear_ibuf [dreg:s6], $0x4FFFF;
	_ =	strace $0x90000046  }
0xb1: {  	s29 =	simm.s32 $0x9;
	_ =	strace $0x80000048  }
0xb2: {  	_ =	swait.ge [sflag:s29], $0x1  }
0xb3: {  	[sflag:s29] =	ssyncadd.s32 $0xFFFFFFFF  }
0xb4: {  	_ =	strace $0x90000048  }
0xb5: {  	_ =	sfence  }
0xb6: {  	s30 =	sld [smem:$0x0];
	_ =	sdelay $0x2  }
0xb7: {  	s31 =	sshll.u32 s1, $0xD;
	s1 =	sshrl.u32 s1, $0x2  }
0xb8: {  	s3 =	sand.u32 $0x4000, s31;
	s1 =	sadd.s32 s1, s30  }
0xb9: {  	s0 =	sor.u32 s3, s0;
	s1 =	sshll.u32 s1, $0x11  }
0xba: {  	s0 =	sor.u32 s1, s0  }
0xbb: {  	s0 =	sadd.s32 $0x8F2B, s0  }
0xbc: {  	[sflag:s0] =	ssyncadd.remote.s32 $0x1  }
0xbd: {  	_ =	sfence.sel $0xFFFF  }
0xbe: {  	[dreg:$0x0] =	wrdreg $0xFFFFFFFF;
	(pc) =	sbr.abs _section_cstart, $3  }
0xbf: {  	[dreg:$0x1] =	wrdreg $0xFFFFFFFF  }
0xc0: {  	_ =	task.clear_ibuf [dreg:s6], $0x2FFFF;
	_ =	strace $0x9FFFFFFF  }
0xc1: {  	(tm) =	ssettm $0x7FFFFFFF  }
tec
execute0_lowered:
.L_overlay_start_1:
0x0: {  	(tag) =	ssettag $0x1  }
0x1: {  	s1 =	srdreg.scid;
	s0 =	stileid.u32  }
0x2: {  	s9 =	sand.u32 $0x1, s1;
	s3 =	sshll.u32 s0, $0x1  }
0x3: {  	s7 =	sor.u32 s9, s3  }
0x4: {  	p0 =	sgt.u32 s7, $0x18  }
.Ltmp0:
0x5: {  	_ = 	snop;
	(pc) =	sbr.rel @p0 .LBB2_4-.Ltmp0, $4  }
0x6: {  	_ = 	snop  }
0x7: {  	s8 =	rddreg [dreg:$0x0];
	s2 =	simm.s32 $0x0  }
0x8: {  	[smem:$0x7FF] =	sst s2  }
0x9: {  	s1 =	rddreg [dreg:$0x1];
	_ =	strace $0x80000047  }
0xa: {  	s3 =	sshll.u32 s0, $0x5  }
0xb: {  	s4 =	sadd.s32 $0x800, s8;
	s5 =	simm.s32 $0x400;
	s3 =	sand.u32 $0x180, s3  }
0xc: {  	s6 =	simm.s32 $0x1000;
	s4 =	sadd.s32 s4, s3;
	s3 =	simm.s32 $0x1  }
0xd: {  	[tilespmem:s2], [sflag:$0x1] =	stream.strided.gather [hbm4b:s4+s5], $0x800, s6, s5, $0x38;
	[tilespmem:$0x880] =	vst v63  }
0xe: {  	_ =	swait.ge [sflag:s3], $0x800  }
0xf: {  	s10 =	sshll.u32 s7, $0x4;
	[sflag:s3] =	ssyncset.done $0x0  }
0x10: {  	s7 =	sand.u32 $0x70, s10;
	[sflag:s3] =	ssyncadd.s32 $0xFFFFF800  }
0x11: {  	v0 =	vld [tilespmem:s7+$0x280]  }
0x12: {  	v1 =	vld [tilespmem:s7+$0x0]  }
0x13: {  	v2 =	vld [tilespmem:s7+$0x80]  }
0x14: {  	v3 =	vld [tilespmem:s7+$0x100]  }
0x15: {  	v4 =	vld [tilespmem:s7+$0x180]  }
0x16: {  	v5 =	vld [tilespmem:s7+$0x480]  }
0x17: {  	v6 =	vld [tilespmem:s7+$0x200]  }
0x18: {  	v7 =	vld [tilespmem:s7+$0x400];
	vm0 =	vlt.f32 v2, v1  }
0x19: {  	v8 =	vld [tilespmem:s7+$0x500];
	v1 =	vsel vm0, v2, v1  }
0x1a: {  	v58 =	vld [tilespmem:s7+$0x580];
	vm1 =	vlt.f32 v3, v1  }
0x1b: {  	v9 =	vld [tilespmem:s7+$0x600];
	v1 =	vsel vm1, v3, v1  }
0x1c: {  	v59 =	vld [tilespmem:s7+$0x680];
	vm2 =	vlt.f32 v4, v1  }
0x1d: {  	s9 =	ssub.s32 $0x2, s9;
	v10 =	vld [tilespmem:s7+$0x300];
	v1 =	vsel vm2, v4, v1  }
0x1e: {  	s11 =	sshrl.u32 s9, $0x1;
	v60 =	vld [tilespmem:s7+$0x700];
	vm3 =	vlt.f32 v6, v1  }
0x1f: {  	s9 =	ssub.s32 s9, s11;
	v61 =	vld [tilespmem:s7+$0x380];
	v5 =	vsel vm0, v5, v7;
	v1 =	vsel vm3, v6, v1  }
0x20: {  	s11 =	smax.u32 s9, $0x1;
	v62 =	vld [tilespmem:s7+$0x780];
	v5 =	vsel vm1, v8, v5;
	vm13 =	vlt.f32 v0, v1  }
0x21: {  	p0 =	sne.s32 s11, $0x1;
	v2 =	vsel vm2, v58, v5;
	v0 =	vsel vm13, v0, v1  }
.Ltmp1:
0x22: {  	v63 =	vsel vm3, v9, v2;
	vm14 =	vlt.f32 v10, v0;
	(pc) =	sbr.rel @!p0 .LBB2_3-.Ltmp1, $4  }
0x23: {  	v1 =	vsel vm13, v59, v63;
	v0 =	vsel vm14, v10, v0  }
0x24: {  	v1 =	vsel vm14, v60, v1;
	vm15 =	vlt.f32 v61, v0  }
0x25: {  	s31 =	sadd.s32 s10, s8;
	v0 =	vsel vm15, v62, v1  }
0x26: {  	s8 =	sadd.s32 $0xC00, s31;
	s9 =	simm.s32 $0x800;
	s10 =	sadd.s32 $0xFFFFFFFF, s11;
	[tilespmem:$0x800] =	vst v0  }
.LBB2_2:
0x27: {  	[hbm4b:s8+s2] =	stream.linear.scatter [tilespmem:s9], [sflag:$0x1], $0x80, $0x38;
	[tilespmem:$0x880] =	vst v63  }
0x28: {  	p0 =	sne.s32 s10, $0x1;
	s10 =	sadd.s32 $0xFFFFFFFF, s10;
	_ =	swait.ge [sflag:s3], $0x80  }
0x29: {  	[sflag:s3] =	ssyncset.done $0x0  }
0x2a: {  	[sflag:s3] =	ssyncadd.s32 $0xFFFFFF80  }
0x2b: {  	[tilespmem:s2], [sflag:$0x1] =	stream.strided.gather [hbm4b:s4+s5], $0x800, s6, s5, $0x38;
	[tilespmem:$0x880] =	vst v63  }
0x2c: {  	_ =	swait.ge [sflag:s3], $0x800  }
0x2d: {  	[sflag:s3] =	ssyncset.done $0x0  }
0x2e: {  	[sflag:s3] =	ssyncadd.s32 $0xFFFFF800  }
0x2f: {  	v0 =	vld [tilespmem:s7+$0x280]  }
0x30: {  	v1 =	vld [tilespmem:s7+$0x100]  }
0x31: {  	v2 =	vld [tilespmem:s7+$0x0]  }
0x32: {  	v3 =	vld [tilespmem:s7+$0x80]  }
0x33: {  	v4 =	vld [tilespmem:s7+$0x180]  }
0x34: {  	v5 =	vld [tilespmem:s7+$0x480]  }
0x35: {  	v6 =	vld [tilespmem:s7+$0x200]  }
0x36: {  	v7 =	vld [tilespmem:s7+$0x400]  }
0x37: {  	vm0 =	vlt.f32 v3, v2;
	v8 =	vld [tilespmem:s7+$0x500]  }
0x38: {  	v2 =	vsel vm0, v3, v2;
	v3 =	vld [tilespmem:s7+$0x580]  }
0x39: {  	vm1 =	vlt.f32 v1, v2;
	v9 =	vld [tilespmem:s7+$0x600]  }
0x3a: {  	v1 =	vsel vm1, v1, v2;
	v2 =	vld [tilespmem:s7+$0x680]  }
0x3b: {  	v5 =	vsel vm0, v5, v7;
	vm0 =	vlt.f32 v4, v1;
	v7 =	vld [tilespmem:s7+$0x300]  }
0x3c: {  	v5 =	vsel vm1, v8, v5;
	v1 =	vsel vm0, v4, v1;
	v4 =	vld [tilespmem:s7+$0x700]  }
0x3d: {  	v3 =	vsel vm0, v3, v5;
	vm0 =	vlt.f32 v6, v1;
	v5 =	vld [tilespmem:s7+$0x780]  }
0x3e: {  	v1 =	vsel vm0, v6, v1;
	v3 =	vsel vm0, v9, v3;
	v6 =	vld [tilespmem:s7+$0x380]  }
0x3f: {  	vm0 =	vlt.f32 v0, v1  }
0x40: {  	v0 =	vsel vm0, v0, v1;
	v1 =	vsel vm0, v2, v3  }
.Ltmp2:
0x41: {  	vm0 =	vlt.f32 v7, v0;
	(pc) =	sbr.rel @p0 .LBB2_2-.Ltmp2, $4  }
0x42: {  	v0 =	vsel vm0, v7, v0;
	v1 =	vsel vm0, v4, v1  }
0x43: {  	vm0 =	vlt.f32 v6, v0  }
0x44: {  	v0 =	vsel vm0, v5, v1  }
0x45: {  	[tilespmem:$0x800] =	vst v0  }
.LBB2_3:
0x46: {  	[hbm4b:s8+s2] =	stream.linear.scatter [tilespmem:s9], [sflag:$0x1], $0x80, $0x38;
	[tilespmem:$0x880] =	vst v63  }
0x47: {  	_ =	swait.ge [sflag:s3], $0x80  }
0x48: {  	[sflag:s3] =	ssyncset.done $0x0  }
0x49: {  	[sflag:s3] =	ssyncadd.s32 $0xFFFFFF80  }
.LBB2_4:
0x4a: {  	_ =	sfence.sel $0x180000  }
0x4b: {  	[bflag:$0x0] =	sbarrier.arrive $0xFFFF  }
0x4c: {  	p0 =	sne.s32 s0, $0x0;
	_ =	strace $0x90000047  }
0x4d: {  	s0 =	sadd.s32 @!p0 $0x100000, s1;
	[bflag:$0x2] =	sbarrier.arrive $0xFFFF  }
0x4e: {  	[sflag:s0] =	ssyncadd.tile.s32 @!p0 $0x1;
	_ =	shalt  }
.Lfunc_end2:
_tile_overlayer_lowered:
.L_overlay_start_2:
0x4f: {  	(tag) =	ssettag $0x2  }
0x50: {  	s0 =	rddreg [dreg:$0x0];
	s2 =	stileid.u32  }
0x51: {  	s1 =	rddreg [dreg:$0x1];
	p0 =	sne.s32 s2, $0x0  }
0x52: {  	s3 =	rddreg [dreg:$0x2];
	[bflag:$0x3] =	sbarrier.arrive $0xFFFF;
	s2 =	simm.s32 @!p0 $0x1C01  }
0x53: {  	[timem:s3], [sflag:s2] =	dma.local @!p0 [hbm:s0], s1  }
0x54: {  	s0 =	simm.s32 @!p0 $0x1  }
0x55: {  	_ =	swait.ge @!p0 [sflag:s0], s1  }
0x56: {  	s1 =	ssub.s32 @!p0 $0x0, s1;
	[sflag:s0] =	ssyncset.done @!p0 $0x0  }
0x57: {  	[sflag:s0] =	ssyncadd.s32 @!p0 s1  }
0x58: {  	[bflag:$0x3] =	sbarrier.arrive $0xFFFF  }
0x59: {  	_ =	shalt  }

</sc_bundles>
